<compile_context>
chip_gen: v7x
topology: tpu7x:2x2x1
jax: 0.10.2.dev20260603
libtpu: 0.0.44.dev20260713+nightly
codegen_flags: <defaults>
</compile_context>

<pallas_src>
import functools

import jax
import jax.numpy as jnp
from jax import lax
from jax.experimental import pallas as pl
from jax.experimental.pallas import tpu as pltpu
from jax.experimental.pallas import tpu_sc as plsc

E = 320000
D = 128


_BC = 12800


def _prep_body(attrs_t_ref, w0_ref, w1_ref, w2_ref, c_ref, t_ref):
    a0 = attrs_t_ref[0:1, :]
    a1 = attrs_t_ref[1:2, :]
    a2 = attrs_t_ref[2:3, :]
    c_ref[:] = (a0 * 12 + a1 * 2 + a2) * 8

    @pl.when(pl.program_id(0) == 0)
    def _():
        i = lax.broadcasted_iota(jnp.int32, (60, 1), 0)
        i0, i1, i2 = i // 12, (i // 2) % 6, i % 2
        oh0 = (lax.broadcasted_iota(jnp.int32, (60, 8), 1) == i0).astype(jnp.float32)
        oh1 = (lax.broadcasted_iota(jnp.int32, (60, 8), 1) == i1).astype(jnp.float32)
        oh2 = (lax.broadcasted_iota(jnp.int32, (60, 8), 1) == i2).astype(jnp.float32)
        w0p = jnp.concatenate([w0_ref[:], jnp.zeros((3, D), jnp.float32)], axis=0)
        w1p = jnp.concatenate([w1_ref[:], jnp.zeros((2, D), jnp.float32)], axis=0)
        w2p = jnp.concatenate([w2_ref[:], jnp.zeros((6, D), jnp.float32)], axis=0)
        t_ref[:] = (
            jnp.dot(oh0, w0p, preferred_element_type=jnp.float32)
            + jnp.dot(oh1, w1p, preferred_element_type=jnp.float32)
            + jnp.dot(oh2, w2p, preferred_element_type=jnp.float32)
        )


def _prep(attrs_t, W0, W1, W2):
    return pl.pallas_call(
        _prep_body,
        grid=(E // _BC,),
        in_specs=[
            pl.BlockSpec((3, _BC), lambda i: (0, i)),
            pl.BlockSpec((5, D), lambda i: (0, 0)),
            pl.BlockSpec((6, D), lambda i: (0, 0)),
            pl.BlockSpec((2, D), lambda i: (0, 0)),
        ],
        out_specs=[
            pl.BlockSpec((1, _BC), lambda i: (0, i)),
            pl.BlockSpec((60, D), lambda i: (0, 0)),
        ],
        out_shape=[
            jax.ShapeDtypeStruct((1, E), jnp.int32),
            jax.ShapeDtypeStruct((60, D), jnp.float32),
        ],
    )(attrs_t, W0, W1, W2)



_NW = 32
_RPW = E // _NW
_R = 200
_NCH = _RPW // _R
_DV = D // 16


def _sc_body(msg_hbm, c_hbm, t_hbm, out_hbm, t_v, m_bufs, o_bufs, c_bufs,
             c_sp, cs_bufs, sem_m, sem_c, sem_o):
    core = lax.axis_index("c")
    sub = lax.axis_index("s")
    wid = sub * 2 + core
    base = wid * _RPW
    pltpu.sync_copy(t_hbm, t_v)

    def iteration(it, _):
        for b in range(2):
            i = it * 2 + b

            @pl.when(i >= 2)
            def _():
                pltpu.make_async_copy(
                    o_bufs[b], out_hbm.at[pl.ds(0, _R * _DV)], sem_o[b]
                ).wait()

            rb = base + i * _R
            pltpu.async_copy(o_bufs[b], out_hbm.at[pl.ds(rb * _DV, _R * _DV)], sem_o[b])
        return 0

    lax.fori_loop(0, _NCH // 2, iteration, 0)
    for b in range(2):
        pltpu.make_async_copy(o_bufs[b], out_hbm.at[pl.ds(0, _R * _DV)], sem_o[b]).wait()


@functools.partial(
    pl.kernel,
    mesh=plsc.VectorSubcoreMesh(core_axis_name="c", subcore_axis_name="s"),
    out_type=jax.ShapeDtypeStruct((E * _DV, 16), jnp.float32),
    scratch_types=[
        pltpu.VMEM((60 * _DV, 16), jnp.float32),
        [pltpu.VMEM((_R * _DV, 16), jnp.float32)] * 2,
        [pltpu.VMEM((_R * _DV, 16), jnp.float32)] * 2,
        [pltpu.VMEM((_R,), jnp.int32)] * 2,
        pltpu.VMEM_SHARED((16, _R), jnp.int32),
        [pltpu.SMEM((_R,), jnp.int32)] * 2,
        [pltpu.SemaphoreType.DMA] * 2,
        [pltpu.SemaphoreType.DMA] * 2,
        [pltpu.SemaphoreType.DMA] * 2,
    ],
    compiler_params=pltpu.CompilerParams(use_tc_tiling_on_sc=False),
)
def _sc_main(msg_hbm, c_hbm, t_hbm, out_hbm, t_v, m_bufs, o_bufs, c_bufs,
             c_sp, cs_bufs, sem_m, sem_c, sem_o):
    _sc_body(msg_hbm, c_hbm, t_hbm, out_hbm, t_v, m_bufs, o_bufs, c_bufs,
             c_sp, cs_bufs, sem_m, sem_c, sem_o)


@jax.jit
def kernel(message, attrs, W0, W1, W2):
    attrs_t = attrs.astype(jnp.int32).T
    c2d, tcomb = _prep(attrs_t, W0, W1, W2)
    msg2 = message.reshape(E * _DV, 16)
    t2 = tcomb.reshape(60 * _DV, 16)
    out2 = _sc_main(msg2, c2d.reshape(E), t2)
    return out2.reshape(E, D)

# --- scband reference (transcript-rebuilt; emitter-appended) ---
"""Pipeline reference for scband-bond-26645977105005 (READ-ONLY COPY).

The authoritative reference and input builder live on the scoring server;
editing this copy changes nothing except your own understanding.
"""

import jax, jax.numpy as jnp
import numpy as np

DIM = 128
E = 320000
BOND_FEATURE_DIMS = [5, 6, 2]

def setup_inputs(seed: int = 0) -> dict:
    key = jax.random.key(seed)
    k_msg, k_attr, k0, k1, k2 = jax.random.split(key, 5)
    message = jax.random.normal(k_msg, (E, DIM), dtype=jnp.float32)
    attrs = jax.random.randint(k_attr, (E, 3), 0, 2, dtype=jnp.int64)
    W0 = jax.random.normal(k0, (BOND_FEATURE_DIMS[0], DIM), dtype=jnp.float32) * 0.02
    W1 = jax.random.normal(k1, (BOND_FEATURE_DIMS[1], DIM), dtype=jnp.float32) * 0.02
    W2 = jax.random.normal(k2, (BOND_FEATURE_DIMS[2], DIM), dtype=jnp.float32) * 0.02
    return {"message": message, "attrs": attrs, "W0": W0, "W1": W1, "W2": W2}

def reference(message, attrs, W0, W1, W2):
    # BondEncoder: sum of per-feature embedding lookups (OGB-style)
    emb = jnp.take(W0, attrs[:, 0], axis=0) \
        + jnp.take(W1, attrs[:, 1], axis=0) \
        + jnp.take(W2, attrs[:, 2], axis=0)
    return jax.nn.relu(message + emb)

if __name__ == "__main__":
    import jax
    _d = setup_inputs()
    print(jax.jit(kernel)(*tuple(_d.values())))

</pallas_src>

<mosaic_0001>
#map = affine_map<(d0, d1) -> (0, 0)>
#map1 = affine_map<(d0, d1) -> (0)>
module attributes {stable_mosaic.version = 14 : i64} {
  func.func @_sc_main(%arg0: i32, %arg1: i32, %arg2: memref<2560000x16xf32, #tpu.memory_space<hbm>>, %arg3: memref<320000xi32, #tpu.memory_space<hbm>>, %arg4: memref<480x16xf32, #tpu.memory_space<hbm>>, %arg5: memref<2560000x16xf32, #tpu.memory_space<hbm>>, %arg6: memref<480x16xf32, #tpu.memory_space<vmem>>, %arg7: memref<1600x16xf32, #tpu.memory_space<vmem>>, %arg8: memref<1600x16xf32, #tpu.memory_space<vmem>>, %arg9: memref<1600x16xf32, #tpu.memory_space<vmem>>, %arg10: memref<1600x16xf32, #tpu.memory_space<vmem>>, %arg11: memref<200xi32, #tpu.memory_space<vmem>>, %arg12: memref<200xi32, #tpu.memory_space<vmem>>, %arg13: memref<16x200xi32, #tpu.memory_space<vmem_shared>>, %arg14: memref<200xi32, #tpu.memory_space<smem>>, %arg15: memref<200xi32, #tpu.memory_space<smem>>, %arg16: memref<!tpu.dma_semaphore, #tpu.memory_space<semaphore_mem>>, %arg17: memref<!tpu.dma_semaphore, #tpu.memory_space<semaphore_mem>>, %arg18: memref<!tpu.dma_semaphore, #tpu.memory_space<semaphore_mem>>, %arg19: memref<!tpu.dma_semaphore, #tpu.memory_space<semaphore_mem>>, %arg20: memref<!tpu.dma_semaphore, #tpu.memory_space<semaphore_mem>>, %arg21: memref<!tpu.dma_semaphore, #tpu.memory_space<semaphore_mem>>) attributes {dimension_semantics = [#tpu.dimension_semantics<core_parallel>, #tpu.dimension_semantics<subcore_parallel>], iteration_bounds = array<i64: 2, 16>, scalar_prefetch = 0 : i64, scratch_operands = 16 : i64, tpu.core_type = #tpu.core_type<sc_vector_subcore>, window_params = [{transform_indices = #map}, {transform_indices = #map1}, {transform_indices = #map}, {transform_indices = #map}]} {
    %mul3A = arith.constant 2 : i32
    %mul3A_0 = arith.muli %arg1, %mul3A : i32
    %add3A = arith.addi %mul3A_0, %arg0 : i32
    %mul3A_1 = arith.constant 10000 : i32
    %mul3A_2 = arith.muli %add3A, %mul3A_1 : i32
    "tpu.region"() ({
      %run_scoped3A = tpu.sem_alloc : memref<!tpu.dma_semaphore, #tpu.memory_space<semaphore_mem>>
      tpu.enqueue_dma source(%arg4 : memref<480x16xf32, #tpu.memory_space<hbm>>) target(%arg6 : memref<480x16xf32, #tpu.memory_space<vmem>>) target_semaphore(%run_scoped3A : memref<!tpu.dma_semaphore, #tpu.memory_space<semaphore_mem>>)
      tpu.wait_dma2 semaphore(%run_scoped3A : memref<!tpu.dma_semaphore, #tpu.memory_space<semaphore_mem>>) src(%arg4 : memref<480x16xf32, #tpu.memory_space<hbm>>) dst(%arg6 : memref<480x16xf32, #tpu.memory_space<vmem>>)
      tpu.yield
    }) : () -> ()
    %scan3A = arith.constant 0 : i32
    %scan3A_3 = arith.constant 0 : i32
    %scan3A_4 = arith.constant 25 : i32
    %scan3A_5 = arith.addi %scan3A_3, %scan3A_4 : i32
    %scan3A_6 = arith.constant 1 : i32
    %scan3A_7 = scf.for %scan3A_20 = %scan3A_3 to %scan3A_5 step %scan3A_6 iter_args(%scan3A_21 = %scan3A) -> (i32)  : i32 {
      %mul3A_22 = arith.constant 2 : i32
      %mul3A_23 = arith.muli %scan3A_20, %mul3A_22 : i32
      %add3A_24 = arith.constant 0 : i32
      %add3A_25 = arith.addi %mul3A_23, %add3A_24 : i32
      %ge3A = arith.constant 2 : i32
      %ge3A_26 = arith.cmpi sge, %add3A_25, %ge3A : i32
      %convert_element_type3A = arith.extui %ge3A_26 : i1 to i32
      %cond3A = arith.constant 0 : i32
      %cond3A_27 = arith.cmpi ne, %convert_element_type3A, %cond3A : i32
      scf.if %cond3A_27 {
        %dma_wait3A_55 = arith.constant 0 : i32
        %dma_wait3A_56 = arith.constant 0 : i32
        %dma_wait3A_57 = tpu.memref_slice %arg5[%dma_wait3A_55, %dma_wait3A_56] : memref<2560000x16xf32, #tpu.memory_space<hbm>> -> memref<1600x16xf32, #tpu.memory_space<hbm>>
        %dma_wait3A_58 = arith.constant 0 : i32
        %dma_wait3A_59 = arith.constant 0 : i32
        %dma_wait3A_60 = tpu.memref_slice %arg5[%dma_wait3A_58, %dma_wait3A_59] : memref<2560000x16xf32, #tpu.memory_space<hbm>> -> memref<1600x16xf32, #tpu.memory_space<hbm>>
        tpu.wait_dma2 semaphore(%arg20 : memref<!tpu.dma_semaphore, #tpu.memory_space<semaphore_mem>>) src(%arg9 : memref<1600x16xf32, #tpu.memory_space<vmem>>) dst(%dma_wait3A_60 : memref<1600x16xf32, #tpu.memory_space<hbm>>)
      } else {
      }
      %mul3A_28 = arith.constant 200 : i32
      %mul3A_29 = arith.muli %add3A_25, %mul3A_28 : i32
      %add3A_30 = arith.addi %mul3A_2, %mul3A_29 : i32
      %mul3A_31 = arith.constant 8 : i32
      %mul3A_32 = arith.muli %add3A_30, %mul3A_31 : i32
      %dma_start3A = arith.constant 0 : i32
      %dma_start3A_33 = tpu.memref_slice %arg5[%mul3A_32, %dma_start3A] : memref<2560000x16xf32, #tpu.memory_space<hbm>> -> memref<1600x16xf32, #tpu.memory_space<hbm>>
      %dma_start3A_34 = arith.constant 0 : i32
      %dma_start3A_35 = tpu.memref_slice %arg5[%mul3A_32, %dma_start3A_34] : memref<2560000x16xf32, #tpu.memory_space<hbm>> -> memref<1600x16xf32, #tpu.memory_space<hbm>>
      tpu.enqueue_dma source(%arg9 : memref<1600x16xf32, #tpu.memory_space<vmem>>) target(%dma_start3A_35 : memref<1600x16xf32, #tpu.memory_space<hbm>>) target_semaphore(%arg20 : memref<!tpu.dma_semaphore, #tpu.memory_space<semaphore_mem>>)
      %mul3A_36 = arith.constant 2 : i32
      %mul3A_37 = arith.muli %scan3A_20, %mul3A_36 : i32
      %add3A_38 = arith.constant 1 : i32
      %add3A_39 = arith.addi %mul3A_37, %add3A_38 : i32
      %ge3A_40 = arith.constant 2 : i32
      %ge3A_41 = arith.cmpi sge, %add3A_39, %ge3A_40 : i32
      %convert_element_type3A_42 = arith.extui %ge3A_41 : i1 to i32
      %cond3A_43 = arith.constant 0 : i32
      %cond3A_44 = arith.cmpi ne, %convert_element_type3A_42, %cond3A_43 : i32
      scf.if %cond3A_44 {
        %dma_wait3A_55 = arith.constant 0 : i32
        %dma_wait3A_56 = arith.constant 0 : i32
        %dma_wait3A_57 = tpu.memref_slice %arg5[%dma_wait3A_55, %dma_wait3A_56] : memref<2560000x16xf32, #tpu.memory_space<hbm>> -> memref<1600x16xf32, #tpu.memory_space<hbm>>
        %dma_wait3A_58 = arith.constant 0 : i32
        %dma_wait3A_59 = arith.constant 0 : i32
        %dma_wait3A_60 = tpu.memref_slice %arg5[%dma_wait3A_58, %dma_wait3A_59] : memref<2560000x16xf32, #tpu.memory_space<hbm>> -> memref<1600x16xf32, #tpu.memory_space<hbm>>
        tpu.wait_dma2 semaphore(%arg21 : memref<!tpu.dma_semaphore, #tpu.memory_space<semaphore_mem>>) src(%arg10 : memref<1600x16xf32, #tpu.memory_space<vmem>>) dst(%dma_wait3A_60 : memref<1600x16xf32, #tpu.memory_space<hbm>>)
      } else {
      }
      %mul3A_45 = arith.constant 200 : i32
      %mul3A_46 = arith.muli %add3A_39, %mul3A_45 : i32
      %add3A_47 = arith.addi %mul3A_2, %mul3A_46 : i32
      %mul3A_48 = arith.constant 8 : i32
      %mul3A_49 = arith.muli %add3A_47, %mul3A_48 : i32
      %dma_start3A_50 = arith.constant 0 : i32
      %dma_start3A_51 = tpu.memref_slice %arg5[%mul3A_49, %dma_start3A_50] : memref<2560000x16xf32, #tpu.memory_space<hbm>> -> memref<1600x16xf32, #tpu.memory_space<hbm>>
      %dma_start3A_52 = arith.constant 0 : i32
      %dma_start3A_53 = tpu.memref_slice %arg5[%mul3A_49, %dma_start3A_52] : memref<2560000x16xf32, #tpu.memory_space<hbm>> -> memref<1600x16xf32, #tpu.memory_space<hbm>>
      tpu.enqueue_dma source(%arg10 : memref<1600x16xf32, #tpu.memory_space<vmem>>) target(%dma_start3A_53 : memref<1600x16xf32, #tpu.memory_space<hbm>>) target_semaphore(%arg21 : memref<!tpu.dma_semaphore, #tpu.memory_space<semaphore_mem>>)
      %scan3A_54 = arith.constant 0 : i32
      scf.yield %scan3A_54 : i32
    }
    %scan3A_8 = arith.constant 25 : i32
    %dma_wait3A = arith.constant 0 : i32
    %dma_wait3A_9 = arith.constant 0 : i32
    %dma_wait3A_10 = tpu.memref_slice %arg5[%dma_wait3A, %dma_wait3A_9] : memref<2560000x16xf32, #tpu.memory_space<hbm>> -> memref<1600x16xf32, #tpu.memory_space<hbm>>
    %dma_wait3A_11 = arith.constant 0 : i32
    %dma_wait3A_12 = arith.constant 0 : i32
    %dma_wait3A_13 = tpu.memref_slice %arg5[%dma_wait3A_11, %dma_wait3A_12] : memref<2560000x16xf32, #tpu.memory_space<hbm>> -> memref<1600x16xf32, #tpu.memory_space<hbm>>
    tpu.wait_dma2 semaphore(%arg20 : memref<!tpu.dma_semaphore, #tpu.memory_space<semaphore_mem>>) src(%arg9 : memref<1600x16xf32, #tpu.memory_space<vmem>>) dst(%dma_wait3A_13 : memref<1600x16xf32, #tpu.memory_space<hbm>>)
    %dma_wait3A_14 = arith.constant 0 : i32
    %dma_wait3A_15 = arith.constant 0 : i32
    %dma_wait3A_16 = tpu.memref_slice %arg5[%dma_wait3A_14, %dma_wait3A_15] : memref<2560000x16xf32, #tpu.memory_space<hbm>> -> memref<1600x16xf32, #tpu.memory_space<hbm>>
    %dma_wait3A_17 = arith.constant 0 : i32
    %dma_wait3A_18 = arith.constant 0 : i32
    %dma_wait3A_19 = tpu.memref_slice %arg5[%dma_wait3A_17, %dma_wait3A_18] : memref<2560000x16xf32, #tpu.memory_space<hbm>> -> memref<1600x16xf32, #tpu.memory_space<hbm>>
    tpu.wait_dma2 semaphore(%arg21 : memref<!tpu.dma_semaphore, #tpu.memory_space<semaphore_mem>>) src(%arg10 : memref<1600x16xf32, #tpu.memory_space<vmem>>) dst(%dma_wait3A_19 : memref<1600x16xf32, #tpu.memory_space<hbm>>)
    return
  }
}

module attributes {stable_mosaic.version = 14 : i64} {
  func.func @_prep_body(%arg0: i32, %arg1: memref<3x12800xi32, #tpu.memory_space<vmem>>, %arg2: memref<5x128xf32, #tpu.memory_space<vmem>>, %arg3: memref<6x128xf32, #tpu.memory_space<vmem>>, %arg4: memref<2x128xf32, #tpu.memory_space<vmem>>, %arg5: memref<1x12800xi32, #tpu.memory_space<vmem>>, %arg6: memref<60x128xf32, #tpu.memory_space<vmem>>) attributes {dimension_semantics = [#tpu.dimension_semantics<arbitrary>], iteration_bounds = array<i64: 25>, scalar_prefetch = 0 : i64, scratch_operands = 0 : i64, tpu.core_type = #tpu.core_type<tc>, window_params = [{transform_indices = @transform_0, window_bounds = array<i64: 3, 12800>}, {pipeline_mode = #tpu.pipeline_mode<synchronous>, transform_indices = @transform_1, window_bounds = array<i64: 5, 128>}, {pipeline_mode = #tpu.pipeline_mode<synchronous>, transform_indices = @transform_2, window_bounds = array<i64: 6, 128>}, {pipeline_mode = #tpu.pipeline_mode<synchronous>, transform_indices = @transform_3, window_bounds = array<i64: 2, 128>}, {transform_indices = @transform_4, window_bounds = array<i64: 1, 12800>}, {pipeline_mode = #tpu.pipeline_mode<synchronous>, transform_indices = @transform_5, window_bounds = array<i64: 60, 128>}]} {
    %get3A = arith.constant 0 : index
    %get3A_0 = arith.constant 0 : index
    %get3A_1 = vector.load %arg1[%get3A, %get3A_0] : memref<3x12800xi32, #tpu.memory_space<vmem>>, vector<1x12800xi32>
    %get3A_2 = arith.constant 1 : index
    %get3A_3 = arith.constant 0 : index
    %get3A_4 = vector.load %arg1[%get3A_2, %get3A_3] : memref<3x12800xi32, #tpu.memory_space<vmem>>, vector<1x12800xi32>
    %get3A_5 = arith.constant 2 : index
    %get3A_6 = arith.constant 0 : index
    %get3A_7 = vector.load %arg1[%get3A_5, %get3A_6] : memref<3x12800xi32, #tpu.memory_space<vmem>>, vector<1x12800xi32>
    %mul3A = arith.constant 12 : i32
    %mul3A_8 = vector.broadcast %mul3A : i32 to vector<1x12800xi32>
    %mul3A_9 = arith.muli %get3A_1, %mul3A_8 : vector<1x12800xi32>
    %mul3A_10 = arith.constant 2 : i32
    %mul3A_11 = vector.broadcast %mul3A_10 : i32 to vector<1x12800xi32>
    %mul3A_12 = arith.muli %get3A_4, %mul3A_11 : vector<1x12800xi32>
    %add3A = arith.addi %mul3A_9, %mul3A_12 : vector<1x12800xi32>
    %add3A_13 = arith.addi %add3A, %get3A_7 : vector<1x12800xi32>
    %mul3A_14 = arith.constant 8 : i32
    %mul3A_15 = vector.broadcast %mul3A_14 : i32 to vector<1x12800xi32>
    %mul3A_16 = arith.muli %add3A_13, %mul3A_15 : vector<1x12800xi32>
    %swap3A = arith.constant 0 : index
    %swap3A_17 = arith.constant 0 : index
    %swap3A_18 = vector.load %arg5[%swap3A, %swap3A_17] : memref<1x12800xi32, #tpu.memory_space<vmem>>, vector<1x12800xi32>
    tpu.vector_store %arg5[%swap3A, %swap3A_17], %mul3A_16 {strides = array<i32>} : memref<1x12800xi32, #tpu.memory_space<vmem>>, vector<1x12800xi32>,
    %eq3A = arith.constant 0 : i32
    %eq3A_19 = arith.cmpi eq, %arg0, %eq3A : i32
    %convert_element_type3A = arith.extui %eq3A_19 : i1 to i32
    %cond3A = arith.constant 0 : i32
    %cond3A_20 = arith.cmpi ne, %convert_element_type3A, %cond3A : i32
    scf.if %cond3A_20 {
      %iota3A = tpu.iota {dimensions = array<i32: 0>} : vector<60x1xi32>
      %jit3A = arith.constant 12 : i32
      %div3A = vector.broadcast %jit3A : i32 to vector<60x1xi32>
      %div3A_21 = arith.divsi %iota3A, %div3A : vector<60x1xi32>
      %sign3A = arith.constant 0 : i32
      %sign3A_22 = vector.broadcast %sign3A : i32 to vector<60x1xi32>
      %sign3A_23 = arith.cmpi sgt, %iota3A, %sign3A_22 : vector<60x1xi32>
      %sign3A_24 = arith.extui %sign3A_23 : vector<60x1xi1> to vector<60x1xi32>
      %sign3A_25 = arith.constant 0 : i32
      %sign3A_26 = vector.broadcast %sign3A_25 : i32 to vector<60x1xi32>
      %sign3A_27 = arith.cmpi slt, %iota3A, %sign3A_26 : vector<60x1xi32>
      %sign3A_28 = arith.extui %sign3A_27 : vector<60x1xi1> to vector<60x1xi32>
      %sign3A_29 = arith.subi %sign3A_24, %sign3A_28 : vector<60x1xi32>
      %sign3A_30 = arith.constant 0 : i32
      %sign3A_31 = arith.cmpi sgt, %jit3A, %sign3A_30 : i32
      %sign3A_32 = arith.extui %sign3A_31 : i1 to i32
      %sign3A_33 = arith.constant 0 : i32
      %sign3A_34 = arith.cmpi slt, %jit3A, %sign3A_33 : i32
      %sign3A_35 = arith.extui %sign3A_34 : i1 to i32
      %sign3A_36 = arith.subi %sign3A_32, %sign3A_35 : i32
      %ne3A = vector.broadcast %sign3A_36 : i32 to vector<60x1xi32>
      %ne3A_37 = arith.cmpi ne, %sign3A_29, %ne3A : vector<60x1xi32>
      %rem3A = vector.broadcast %jit3A : i32 to vector<60x1xi32>
      %rem3A_38 = arith.remsi %iota3A, %rem3A : vector<60x1xi32>
      %ne3A_39 = arith.constant 0 : i32
      %ne3A_40 = vector.broadcast %ne3A_39 : i32 to vector<60x1xi32>
      %ne3A_41 = arith.cmpi ne, %rem3A_38, %ne3A_40 : vector<60x1xi32>
      %and3A = arith.andi %ne3A_37, %ne3A_41 : vector<60x1xi1>
      %sub3A = arith.constant 1 : i32
      %sub3A_42 = vector.broadcast %sub3A : i32 to vector<60x1xi32>
      %sub3A_43 = arith.subi %div3A_21, %sub3A_42 : vector<60x1xi32>
      %select_n3A = arith.select %and3A, %sub3A_43, %div3A_21 : vector<60x1xi1>, vector<60x1xi32>
      %jit3A_44 = arith.constant 2 : i32
      %div3A_45 = vector.broadcast %jit3A_44 : i32 to vector<60x1xi32>
      %div3A_46 = arith.divsi %iota3A, %div3A_45 : vector<60x1xi32>
      %sign3A_47 = arith.constant 0 : i32
      %sign3A_48 = vector.broadcast %sign3A_47 : i32 to vector<60x1xi32>
      %sign3A_49 = arith.cmpi sgt, %iota3A, %sign3A_48 : vector<60x1xi32>
      %sign3A_50 = arith.extui %sign3A_49 : vector<60x1xi1> to vector<60x1xi32>
      %sign3A_51 = arith.constant 0 : i32
      %sign3A_52 = vector.broadcast %sign3A_51 : i32 to vector<60x1xi32>
      %sign3A_53 = arith.cmpi slt, %iota3A, %sign3A_52 : vector<60x1xi32>
      %sign3A_54 = arith.extui %sign3A_53 : vector<60x1xi1> to vector<60x1xi32>
      %sign3A_55 = arith.subi %sign3A_50, %sign3A_54 : vector<60x1xi32>
      %sign3A_56 = arith.constant 0 : i32
      %sign3A_57 = arith.cmpi sgt, %jit3A_44, %sign3A_56 : i32
      %sign3A_58 = arith.extui %sign3A_57 : i1 to i32
      %sign3A_59 = arith.constant 0 : i32
      %sign3A_60 = arith.cmpi slt, %jit3A_44, %sign3A_59 : i32
      %sign3A_61 = arith.extui %sign3A_60 : i1 to i32
      %sign3A_62 = arith.subi %sign3A_58, %sign3A_61 : i32
      %ne3A_63 = vector.broadcast %sign3A_62 : i32 to vector<60x1xi32>
      %ne3A_64 = arith.cmpi ne, %sign3A_55, %ne3A_63 : vector<60x1xi32>
      %rem3A_65 = vector.broadcast %jit3A_44 : i32 to vector<60x1xi32>
      %rem3A_66 = arith.remsi %iota3A, %rem3A_65 : vector<60x1xi32>
      %ne3A_67 = arith.constant 0 : i32
      %ne3A_68 = vector.broadcast %ne3A_67 : i32 to vector<60x1xi32>
      %ne3A_69 = arith.cmpi ne, %rem3A_66, %ne3A_68 : vector<60x1xi32>
      %and3A_70 = arith.andi %ne3A_64, %ne3A_69 : vector<60x1xi1>
      %sub3A_71 = arith.constant 1 : i32
      %sub3A_72 = vector.broadcast %sub3A_71 : i32 to vector<60x1xi32>
      %sub3A_73 = arith.subi %div3A_46, %sub3A_72 : vector<60x1xi32>
      %select_n3A_74 = arith.select %and3A_70, %sub3A_73, %div3A_46 : vector<60x1xi1>, vector<60x1xi32>
      %jit3A_75 = arith.constant 6 : i32
      %eq3A_76 = arith.constant 0 : i32
      %eq3A_77 = arith.cmpi eq, %jit3A_75, %eq3A_76 : i32
      %jit3A_78 = arith.constant 1 : i32
      %select_n3A_79 = arith.select %eq3A_77, %jit3A_78, %jit3A_75 : i32
      %rem3A_80 = vector.broadcast %select_n3A_79 : i32 to vector<60x1xi32>
      %rem3A_81 = arith.remsi %select_n3A_74, %rem3A_80 : vector<60x1xi32>
      %ne3A_82 = arith.constant 0 : i32
      %ne3A_83 = vector.broadcast %ne3A_82 : i32 to vector<60x1xi32>
      %ne3A_84 = arith.cmpi ne, %rem3A_81, %ne3A_83 : vector<60x1xi32>
      %lt3A = arith.constant 0 : i32
      %lt3A_85 = vector.broadcast %lt3A : i32 to vector<60x1xi32>
      %lt3A_86 = arith.cmpi slt, %rem3A_81, %lt3A_85 : vector<60x1xi32>
      %lt3A_87 = arith.constant 0 : i32
      %lt3A_88 = arith.cmpi slt, %select_n3A_79, %lt3A_87 : i32
      %ne3A_89 = vector.broadcast %lt3A_88 : i1 to vector<60x1xi1>
      %ne3A_90 = vector.broadcast %ne3A_89 : vector<60x1xi1> to vector<60x1xi1>
      %ne3A_91 = arith.xori %lt3A_86, %ne3A_90 : vector<60x1xi1>
      %and3A_92 = arith.andi %ne3A_91, %ne3A_84 : vector<60x1xi1>
      %add3A_93 = vector.broadcast %select_n3A_79 : i32 to vector<60x1xi32>
      %add3A_94 = arith.addi %rem3A_81, %add3A_93 : vector<60x1xi32>
      %select_n3A_95 = arith.select %and3A_92, %add3A_94, %rem3A_81 : vector<60x1xi1>, vector<60x1xi32>
      %jit3A_96 = arith.constant 2 : i32
      %eq3A_97 = arith.constant 0 : i32
      %eq3A_98 = arith.cmpi eq, %jit3A_96, %eq3A_97 : i32
      %jit3A_99 = arith.constant 1 : i32
      %select_n3A_100 = arith.select %eq3A_98, %jit3A_99, %jit3A_96 : i32
      %rem3A_101 = vector.broadcast %select_n3A_100 : i32 to vector<60x1xi32>
      %rem3A_102 = arith.remsi %iota3A, %rem3A_101 : vector<60x1xi32>
      %ne3A_103 = arith.constant 0 : i32
      %ne3A_104 = vector.broadcast %ne3A_103 : i32 to vector<60x1xi32>
      %ne3A_105 = arith.cmpi ne, %rem3A_102, %ne3A_104 : vector<60x1xi32>
      %lt3A_106 = arith.constant 0 : i32
      %lt3A_107 = vector.broadcast %lt3A_106 : i32 to vector<60x1xi32>
      %lt3A_108 = arith.cmpi slt, %rem3A_102, %lt3A_107 : vector<60x1xi32>
      %lt3A_109 = arith.constant 0 : i32
      %lt3A_110 = arith.cmpi slt, %select_n3A_100, %lt3A_109 : i32
      %ne3A_111 = vector.broadcast %lt3A_110 : i1 to vector<60x1xi1>
      %ne3A_112 = vector.broadcast %ne3A_111 : vector<60x1xi1> to vector<60x1xi1>
      %ne3A_113 = arith.xori %lt3A_108, %ne3A_112 : vector<60x1xi1>
      %and3A_114 = arith.andi %ne3A_113, %ne3A_105 : vector<60x1xi1>
      %add3A_115 = vector.broadcast %select_n3A_100 : i32 to vector<60x1xi32>
      %add3A_116 = arith.addi %rem3A_102, %add3A_115 : vector<60x1xi32>
      %select_n3A_117 = arith.select %and3A_114, %add3A_116, %rem3A_102 : vector<60x1xi1>, vector<60x1xi32>
      %iota3A_118 = tpu.iota {dimensions = array<i32: 1>} : vector<60x8xi32>
      %eq3A_119 = vector.broadcast %select_n3A : vector<60x1xi32> to vector<60x8xi32>
      %eq3A_120 = arith.cmpi eq, %iota3A_118, %eq3A_119 : vector<60x8xi32>
      %convert_element_type3A_121 = arith.extui %eq3A_120 : vector<60x8xi1> to vector<60x8xi32>
      %convert_element_type3A_122 = arith.sitofp %convert_element_type3A_121 : vector<60x8xi32> to vector<60x8xf32>
      %iota3A_123 = tpu.iota {dimensions = array<i32: 1>} : vector<60x8xi32>
      %eq3A_124 = vector.broadcast %select_n3A_95 : vector<60x1xi32> to vector<60x8xi32>
      %eq3A_125 = arith.cmpi eq, %iota3A_123, %eq3A_124 : vector<60x8xi32>
      %convert_element_type3A_126 = arith.extui %eq3A_125 : vector<60x8xi1> to vector<60x8xi32>
      %convert_element_type3A_127 = arith.sitofp %convert_element_type3A_126 : vector<60x8xi32> to vector<60x8xf32>
      %iota3A_128 = tpu.iota {dimensions = array<i32: 1>} : vector<60x8xi32>
      %eq3A_129 = vector.broadcast %select_n3A_117 : vector<60x1xi32> to vector<60x8xi32>
      %eq3A_130 = arith.cmpi eq, %iota3A_128, %eq3A_129 : vector<60x8xi32>
      %convert_element_type3A_131 = arith.extui %eq3A_130 : vector<60x8xi1> to vector<60x8xi32>
      %convert_element_type3A_132 = arith.sitofp %convert_element_type3A_131 : vector<60x8xi32> to vector<60x8xf32>
      %get3A_133 = arith.constant 0 : index
      %get3A_134 = arith.constant 0 : index
      %get3A_135 = vector.load %arg2[%get3A_133, %get3A_134] : memref<5x128xf32, #tpu.memory_space<vmem>>, vector<5x128xf32>
      %broadcast_in_dim3A = arith.constant 0.000000e+00 : f32
      %broadcast_in_dim3A_136 = vector.broadcast %broadcast_in_dim3A : f32 to vector<3x128xf32>
      %concatenate3A = tpu.concatenate %get3A_135, %broadcast_in_dim3A_136 in 0 : vector<5x128xf32>, vector<3x128xf32> -> vector<8x128xf32>
      %get3A_137 = arith.constant 0 : index
      %get3A_138 = arith.constant 0 : index
      %get3A_139 = vector.load %arg3[%get3A_137, %get3A_138] : memref<6x128xf32, #tpu.memory_space<vmem>>, vector<6x128xf32>
      %broadcast_in_dim3A_140 = arith.constant 0.000000e+00 : f32
      %broadcast_in_dim3A_141 = vector.broadcast %broadcast_in_dim3A_140 : f32 to vector<2x128xf32>
      %concatenate3A_142 = tpu.concatenate %get3A_139, %broadcast_in_dim3A_141 in 0 : vector<6x128xf32>, vector<2x128xf32> -> vector<8x128xf32>
      %get3A_143 = arith.constant 0 : index
      %get3A_144 = arith.constant 0 : index
      %get3A_145 = vector.load %arg4[%get3A_143, %get3A_144] : memref<2x128xf32, #tpu.memory_space<vmem>>, vector<2x128xf32>
      %broadcast_in_dim3A_146 = arith.constant 0.000000e+00 : f32
      %broadcast_in_dim3A_147 = vector.broadcast %broadcast_in_dim3A_146 : f32 to vector<6x128xf32>
      %concatenate3A_148 = tpu.concatenate %get3A_145, %broadcast_in_dim3A_147 in 0 : vector<2x128xf32>, vector<6x128xf32> -> vector<8x128xf32>
      %dot_general3A = arith.constant dense<0.000000e+00> : vector<60x128xf32>
      %dot_general3A_149 = tpu.matmul %convert_element_type3A_122, %concatenate3A, %dot_general3A {dimension_numbers = #tpu.dot_dimension_numbers<[1], [0], [0], [1], [0, 0, 1, 1], [], []>, transpose_lhs_hint = false} : vector<60x8xf32>, vector<8x128xf32>, vector<60x128xf32> -> vector<60x128xf32>
      %dot_general3A_150 = arith.constant dense<0.000000e+00> : vector<60x128xf32>
      %dot_general3A_151 = tpu.matmul %convert_element_type3A_127, %concatenate3A_142, %dot_general3A_150 {dimension_numbers = #tpu.dot_dimension_numbers<[1], [0], [0], [1], [0, 0, 1, 1], [], []>, transpose_lhs_hint = false} : vector<60x8xf32>, vector<8x128xf32>, vector<60x128xf32> -> vector<60x128xf32>
      %add3A_152 = arith.addf %dot_general3A_149, %dot_general3A_151 : vector<60x128xf32>
      %dot_general3A_153 = arith.constant dense<0.000000e+00> : vector<60x128xf32>
      %dot_general3A_154 = tpu.matmul %convert_element_type3A_132, %concatenate3A_148, %dot_general3A_153 {dimension_numbers = #tpu.dot_dimension_numbers<[1], [0], [0], [1], [0, 0, 1, 1], [], []>, transpose_lhs_hint = false} : vector<60x8xf32>, vector<8x128xf32>, vector<60x128xf32> -> vector<60x128xf32>
      %add3A_155 = arith.addf %add3A_152, %dot_general3A_154 : vector<60x128xf32>
      %swap3A_156 = arith.constant 0 : index
      %swap3A_157 = arith.constant 0 : index
      %swap3A_158 = vector.load %arg6[%swap3A_156, %swap3A_157] : memref<60x128xf32, #tpu.memory_space<vmem>>, vector<60x128xf32>
      tpu.vector_store %arg6[%swap3A_156, %swap3A_157], %add3A_155 {strides = array<i32>} : memref<60x128xf32, #tpu.memory_space<vmem>>, vector<60x128xf32>,
    } else {
    }
    return
  }
  func.func @transform_0(%arg0: i32) -> (i32, i32) {
    %c0_i32 = arith.constant 0 : i32
    %c0_i32_0 = arith.constant 0 : i32
    return %c0_i32, %arg0 : i32, i32
  }
  func.func @transform_1(%arg0: i32) -> (i32, i32) {
    %c0_i32 = arith.constant 0 : i32
    %c0_i32_0 = arith.constant 0 : i32
    %c0_i32_1 = arith.constant 0 : i32
    return %c0_i32, %c0_i32_0 : i32, i32
  }
  func.func @transform_2(%arg0: i32) -> (i32, i32) {
    %c0_i32 = arith.constant 0 : i32
    %c0_i32_0 = arith.constant 0 : i32
    %c0_i32_1 = arith.constant 0 : i32
    return %c0_i32, %c0_i32_0 : i32, i32
  }
  func.func @transform_3(%arg0: i32) -> (i32, i32) {
    %c0_i32 = arith.constant 0 : i32
    %c0_i32_0 = arith.constant 0 : i32
    %c0_i32_1 = arith.constant 0 : i32
    return %c0_i32, %c0_i32_0 : i32, i32
  }
  func.func @transform_4(%arg0: i32) -> (i32, i32) {
    %c0_i32 = arith.constant 0 : i32
    %c0_i32_0 = arith.constant 0 : i32
    return %c0_i32, %arg0 : i32, i32
  }
  func.func @transform_5(%arg0: i32) -> (i32, i32) {
    %c0_i32 = arith.constant 0 : i32
    %c0_i32_0 = arith.constant 0 : i32
    %c0_i32_1 = arith.constant 0 : i32
    return %c0_i32, %c0_i32_0 : i32, i32
  }
}

</mosaic_0001>

<sc_bundles>
// kernel: kernel.4.cloned.1.call-start
scs
__scs_entry_jumppad:
0x0: {  	(pc) =	sbr.rel $0x88, $3  }
0x1: {  	(tag) =	ssettag $0x0;
	lr =	simm.s32 $0x1  }
0x2: {  	[smem:$0x3F9C] =	sst lr;
	_ =	strace $0xD0000000  }
0x3: {  	_ = 	snop  }
0x4: {  	_ = 	snop  }
0x5: {  	_ = 	snop  }
0x6: {  	_ = 	snop  }
0x7: {  	_ = 	snop  }
__scs_overlays_trampoline_lowered:
0x8: {  	[smem:$0x3FAB] =	sst s0  }
0x9: {  	[smem:$0x3FAC] =	sst s1  }
0xa: {  	[smem:$0x3FAD] =	sst s2  }
0xb: {  	[smem:$0x3FAE] =	sst s3  }
0xc: {  	[smem:$0x3FAF] =	sst s4  }
0xd: {  	[smem:$0x3FB0] =	sst s5  }
0xe: {  	[smem:$0x3FB1] =	sst s6  }
0xf: {  	[smem:$0x3FB2] =	sst s7  }
0x10: {  	[smem:$0x3FB3] =	sst s8  }
0x11: {  	[smem:$0x3FB4] =	sst s9;
	s0 =	simm.s32 @!p0 $0x0  }
0x12: {  	s1 =	sld [smem:$0x3F9A];
	s0 =	simm.s32 @p0 $0x1  }
0x13: {  	[smem:$0x3FB5] =	sst s0;
	s0 =	simm.s32 @!p1 $0x0  }
0x14: {  	s2 =	sld [smem:$0x3F99];
	s0 =	simm.s32 @p1 $0x1  }
0x15: {  	[smem:$0x3FB6] =	sst s0;
	s0 =	simm.s32 @!p2 $0x0  }
0x16: {  	s3 =	sld [smem:$0x3FDB];
	s0 =	simm.s32 @p2 $0x1  }
0x17: {  	s4 =	simm.s32 $0x1BF5;
	[smem:$0x3FB8] =	sst s0  }
0x18: {  	s0 =	sld [smem:$0x3F9B];
	_ =	swait.ge [sflag:s4], $0x0  }
0x19: {  	s7 =	sld [smem:$0x3F9C]  }
0x1a: {  	s8 =	sadd.s32 $0xFFFFE003, lr  }
0x1b: {  	s9 =	sadd.s32 $0xFFFFFEF7, lr;
	s5 =	simm.s32 $0xFFFFFFFF;
	p2 =	slt.u32 s8, $0xFFFFF086  }
0x1c: {  	p1 =	slt.u32 s9, $0xF7A;
	s5 =	simm.s32 @!p2 $0x0  }
0x1d: {  	s5 =	simm.s32 @p1 $0x1;
	p0 =	seq.s32 s7, s2  }
0x1e: {  	s7 =	smul.u32 @!p0 $0xF7A, s2;
	p2 =	seq.s32 @!p0 s5, $0x0  }
0x1f: {  	s9 =	smul.u32 $0xF7A, s1;
	s8 =	simm.s32 @!p0 $0x1BF5;
	p2 =	por !p2, p0  }
0x20: {  	[sflag:s8] =	ssyncset.s32 @!p0 $0xFFFFF086;
	s6 =	sadd.s32 @!p0 s3, s7;
	s7 =	simm.s32 @!p0 $0x108  }
0x21: {  	s3 =	sadd.s32 s3, s9;
	s6 =	sadd.s32 @!p0 $0x88, s6;
	s7 =	simm.s32 @p2 $0x1082  }
0x22: {  	[simem:s7], [sflag:s8] =	dma.local @!p0 [hbm:s6], $0xF7A  }
0x23: {  	s9 =	sor.u32 $0xD0000000, s2;
	s6 =	simm.s32 $0x108;
	_ =	swait.ge @!p0 [sflag:s8], $0x0  }
0x24: {  	s3 =	sadd.s32 $0x88, s3;
	s6 =	simm.s32 @!p1 $0x1082;
	[sflag:s4] =	ssyncset.s32 $0xFFFFF086  }
0x25: {  	[simem:s6], [sflag:s4] =	dma.local [hbm:s3], $0xF7A  }
0x26: {  	[smem:$0x3F9C] =	sst s1;
	(tag) =	ssettag s2;
	_ =	strace s9  }
0x27: {  	s1 =	sld [smem:$0x3FAC]  }
0x28: {  	s2 =	sld [smem:$0x3FAD]  }
0x29: {  	s4 =	sld [smem:$0x3FAF]  }
0x2a: {  	p0 =	seq.s32 s5, $0x0;
	s5 =	sld [smem:$0x3FB0]  }
0x2b: {  	s6 =	sld [smem:$0x3FB1]  }
0x2c: {  	s7 =	sld [smem:$0x3FB2]  }
0x2d: {  	s3 =	simm.s32 $0x108;
	s8 =	sld [smem:$0x3FB3]  }
0x2e: {  	s3 =	simm.s32 @!p0 $0x1082;
	s9 =	sld [smem:$0x3FB4]  }
0x2f: {  	lr =	sadd.s32 s0, s3;
	s0 =	sld [smem:$0x3FAB]  }
0x30: {  	s3 =	sld [smem:$0x3FAE]  }
0x31: {  	[smem:$0x3FB7] =	sst s10  }
0x32: {  	s10 =	sld [smem:$0x3FB5];
	_ =	sdelay $0x3  }
0x33: {  	p0 =	seq.s32 s10, $0x1;
	s10 =	sld [smem:$0x3FB7];
	_ =	sdelay $0x3  }
0x34: {  	[smem:$0x3FB7] =	sst s10  }
0x35: {  	s10 =	sld [smem:$0x3FB6];
	_ =	sdelay $0x3  }
0x36: {  	p1 =	seq.s32 s10, $0x1;
	s10 =	sld [smem:$0x3FB7];
	_ =	sdelay $0x3  }
0x37: {  	[smem:$0x3FB7] =	sst s10  }
0x38: {  	s10 =	sld [smem:$0x3FB8]  }
0x39: {  	_ = 	snop;
	(pc) =	sbr.ind lr, $3  }
0x3a: {  	_ = 	snop  }
0x3b: {  	_ = 	snop  }
0x3c: {  	p2 =	seq.s32 s10, $0x1;
	s10 =	sld [smem:$0x3FB7]  }
0x3d: {  	_ =	shalt  }
0x3e: {  	_ =	shalt  }
0x3f: {  	_ =	shalt  }
0x40: {  	_ =	shalt  }
0x41: {  	_ =	shalt  }
0x42: {  	_ =	shalt  }
0x43: {  	_ =	shalt  }
0x44: {  	_ =	shalt  }
0x45: {  	_ =	shalt  }
0x46: {  	_ =	shalt  }
0x47: {  	_ =	shalt  }
0x48: {  	_ =	shalt  }
0x49: {  	_ =	shalt  }
0x4a: {  	_ =	shalt  }
0x4b: {  	_ =	shalt  }
0x4c: {  	_ =	shalt  }
0x4d: {  	_ =	shalt  }
0x4e: {  	_ =	shalt  }
0x4f: {  	_ =	shalt  }
0x50: {  	_ =	shalt  }
0x51: {  	_ =	shalt  }
0x52: {  	_ =	shalt  }
0x53: {  	_ =	shalt  }
0x54: {  	_ =	shalt  }
0x55: {  	_ =	shalt  }
0x56: {  	_ =	shalt  }
0x57: {  	_ =	shalt  }
0x58: {  	_ =	shalt  }
0x59: {  	_ =	shalt  }
0x5a: {  	_ =	shalt  }
0x5b: {  	_ =	shalt  }
0x5c: {  	_ =	shalt  }
0x5d: {  	_ =	shalt  }
0x5e: {  	_ =	shalt  }
0x5f: {  	_ =	shalt  }
0x60: {  	_ =	shalt  }
0x61: {  	_ =	shalt  }
0x62: {  	_ =	shalt  }
0x63: {  	_ =	shalt  }
0x64: {  	_ =	shalt  }
0x65: {  	_ =	shalt  }
0x66: {  	_ =	shalt  }
0x67: {  	_ =	shalt  }
0x68: {  	_ =	shalt  }
0x69: {  	_ =	shalt  }
0x6a: {  	_ =	shalt  }
0x6b: {  	_ =	shalt  }
0x6c: {  	_ =	shalt  }
0x6d: {  	_ =	shalt  }
0x6e: {  	_ =	shalt  }
0x6f: {  	_ =	shalt  }
0x70: {  	_ =	shalt  }
0x71: {  	_ =	shalt  }
0x72: {  	_ =	shalt  }
0x73: {  	_ =	shalt  }
0x74: {  	_ =	shalt  }
0x75: {  	_ =	shalt  }
0x76: {  	_ =	shalt  }
0x77: {  	_ =	shalt  }
0x78: {  	_ =	shalt  }
0x79: {  	_ =	shalt  }
0x7a: {  	_ =	shalt  }
0x7b: {  	_ =	shalt  }
0x7c: {  	_ =	shalt  }
0x7d: {  	_ =	shalt  }
0x7e: {  	_ =	shalt  }
0x7f: {  	_ =	shalt  }
0x80: {  	_ =	shalt  }
0x81: {  	_ =	shalt  }
0x82: {  	_ =	shalt  }
0x83: {  	_ =	shalt  }
0x84: {  	_ =	shalt  }
0x85: {  	_ =	shalt  }
0x86: {  	_ =	shalt  }
0x87: {  	_ =	shalt  }
.Lfunc_end0:
.L_simem_size_0:
called_computation_lowered:
.L_overlay_start_0:
0x88: {  	s2 =	sld [smem:$0x3FD9]  }
0x89: {  	s3 =	sld [smem:$0x3FFE];
	_ =	sdelay $0x1  }
0x8a: {  	s1 =	srdreg.scid  }
0x8b: {  	s0 =	sand.u32 $0x1, s1  }
0x8c: {  	s17 =	sshll.u32 s0, $0xA;
	s2 =	sadd.s32 s3, s2  }
0x8d: {  	s2 =	sadd.s32 s2, s17  }
0x8e: {  	[smem:$0x3FC3] =	sst s2  }
0x8f: {  	_ = 	snop  }
0x90: {  	s2 =	sld [smem:$0x3FD0];
	(tm) =	ssettm $0x1  }
0x91: {  	s18 =	sld [smem:$0x3FFB];
	_ =	sdelay $0x3  }
0x92: {  	_ =	strace s18  }
0x93: {  	s3 =	sld [smem:$0x3FFC];
	_ =	sdelay $0x3  }
0x94: {  	_ =	strace s3  }
0x95: {  	s3 =	sld [smem:$0x3FFD];
	_ =	sdelay $0x3  }
0x96: {  	_ =	strace s3  }
0x97: {  	_ =	strace $0x8FFFFFFF  }
0x98: {  	s19 =	sld [smem:$0x3FDB];
	_ =	sdelay $0x1  }
0x99: {  	s4 =	simm.s32 $_scs_section_size  }
0x9a: {  	s5 =	simm.s32 $_size__tile_overlayer_lowered;
	s6 =	simm.s32 $_tile_overlayer_lowered  }
0x9b: {  	s22 =	simm.s32 $0x1BFF;
	s21 =	sshll.u32 s6, $0x1;
	s3 =	sadd.s32 s4, s19  }
0x9c: {  	s7 =	simm.s32 $0x0;
	s20 =	sshll.u32 s5, $0x1;
	s5 =	sadd.s32 s21, s3  }
0x9d: {  	[timem:s7], [sflag:s22] =	dma.local [hbm:s5], s20  }
0x9e: {  	_ =	swait.ge [sflag:s22], s20  }
0x9f: {  	s4 =	ssub.s32 $0x0, s20;
	[sflag:s22] =	ssyncset.done $0x0  }
0xa0: {  	[sflag:s22] =	ssyncadd.s32 s4;
	_ =	sdelay $0x1  }
0xa1: {  	s23 =	simm.s32 $0x1B8B  }
0xa2: {  	_ =	swait.ge [sflag:s23], $0x1  }
0xa3: {  	[sflag:s23] =	ssyncset.done $0x0  }
0xa4: {  	s25 =	simm.s32 $0x1B8E;
	s24 =	sld [smem:$0x3FFE];
	[sflag:s23] =	ssyncadd.s32 $0xFFFFFFFF  }
0xa5: {  	s26 =	simm.s32 $execute0_lowered;
	[smem:$0x3FD2] =	sst s25  }
0xa6: {  	s5 =	sshll.u32 s26, $0x1;
	_ =	strace $0x80000046;
	[dreg:$0x1] =	wrdreg $0xFFFFFFFF  }
0xa7: {  	s28 =	simm.s32 $_size_execute0_lowered;
	s3 =	sadd.s32 s3, s5;
	[dreg:$0x0] =	wrdreg $0x0  }
0xa8: {  	s5 =	sshll.u32 s28, $0x1;
	[dreg:$0x2] =	wrdreg s3  }
0xa9: {  	[dreg:$0x3] =	wrdreg s5  }
0xaa: {  	[dreg:$0x4] =	wrdreg $0xC0  }
0xab: {  	_ =	task [dreg:s7], $0x5FFFF  }
0xac: {  	[dreg:$0x1] =	wrdreg $0xFFFFFFFF  }
0xad: {  	[dreg:$0x0] =	wrdreg $0x60  }
0xae: {  	[dreg:$0x2] =	wrdreg s24  }
0xaf: {  	[dreg:$0x3] =	wrdreg s2  }
0xb0: {  	[dreg:$0x4] =	wrdreg $0x9  }
0xb1: {  	_ =	task.clear_ibuf [dreg:s7], $0x5FFFF;
	_ =	strace $0x90000046  }
0xb2: {  	s29 =	simm.s32 $0x9;
	_ =	strace $0x80000048  }
0xb3: {  	_ =	swait.ge [sflag:s29], $0x1  }
0xb4: {  	[sflag:s29] =	ssyncadd.s32 $0xFFFFFFFF  }
0xb5: {  	_ =	strace $0x90000048  }
0xb6: {  	_ =	sfence  }
0xb7: {  	s30 =	sld [smem:$0x0];
	_ =	sdelay $0x2  }
0xb8: {  	s31 =	sshll.u32 s1, $0xD;
	s1 =	sshrl.u32 s1, $0x2  }
0xb9: {  	s3 =	sand.u32 $0x4000, s31;
	s1 =	sadd.s32 s1, s30  }
0xba: {  	s0 =	sor.u32 s3, s0;
	s1 =	sshll.u32 s1, $0x11  }
0xbb: {  	s0 =	sor.u32 s1, s0  }
0xbc: {  	s0 =	sadd.s32 $0x8F2B, s0  }
0xbd: {  	[sflag:s0] =	ssyncadd.remote.s32 $0x1  }
0xbe: {  	_ =	sfence.sel $0xFFFF  }
0xbf: {  	[dreg:$0x0] =	wrdreg $0xFFFFFFFF;
	(pc) =	sbr.abs _section_cstart, $3  }
0xc0: {  	[dreg:$0x1] =	wrdreg $0xFFFFFFFF  }
0xc1: {  	_ =	task.clear_ibuf [dreg:s7], $0x2FFFF;
	_ =	strace $0x9FFFFFFF  }
0xc2: {  	(tm) =	ssettm $0x7FFFFFFF  }
0xc3: {  	_ =	shalt  }
tec
execute0_lowered:
.L_overlay_start_1:
0x0: {  	(tag) =	ssettag $0x1  }
0x1: {  	s1 =	srdreg.scid  }
0x2: {  	s0 =	stileid.u32;
	s3 =	rddreg [dreg:$0x0]  }
0x3: {  	s6 =	rddreg [dreg:$0x1];
	s2 =	simm.s32 $0x0;
	s12 =	simm.s32 $0x1  }
0x4: {  	s13 =	simm.s32 $0x2;
	s14 =	simm.s32 $0x0;
	s7 =	smul.u32 $0x4E20, s0  }
0x5: {  	s4 =	sand.u32 $0x1, s1;
	s1 =	rddreg [dreg:$0x2];
	s11 =	smul.u32 $0x4E200, s0  }
0x6: {  	s29 =	sshll.u32 s0, $0x1;
	[smem:$0x7FF] =	sst s2;
	s9 =	smul.u32 $0x2710, s4  }
0x7: {  	s3 =	sadd.s32 $0xC00, s3;
	s5 =	sor.u32 s4, s29;
	s30 =	smul.u32 $0x27100, s4  }
0x8: {  	_ =	strace $0x80000047;
	s8 =	ssub.s32 $0x2, s4;
	s5 =	smul.u32 $0x27100, s5  }
0x9: {  	s10 =	sshrl.u32 s8, $0x1;
	s31 =	sadd.s32 s11, s6;
	s11 =	simm.s32 $0x8200  }
0xa: {  	s8 =	ssub.s32 s8, s10;
	s7 =	sadd.s32 s9, s7;
	s9 =	simm.s32 $0x3  }
0xb: {  	s10 =	simm.s32 $0x1E00;
	s4 =	smax.u32 s8, $0x1;
	s7 =	sshll.u32 s7, $0x4  }
0xc: {  	s5 =	sadd.s32 s6, s5;
	s8 =	sadd.s32 s30, s31;
	s7 =	sadd.s32 s6, s7  }
0xd: {  	s6 =	sadd.s32 $0xC80, s5;
	s8 =	sadd.s32 $0x1900, s8;
	s7 =	sadd.s32 $0x2580, s7  }
.LBB2_1:
0xe: {  	[tilespmem:s2], [sflag:$0x3] =	stream.linear.gather [hbm4b:s3+s2], $0x1E00, $0x38;
	[tilespmem:$0xE600] =	vst v63  }
0xf: {  	_ =	swait.ge [sflag:s9], $0x1E00  }
0x10: {  	[sflag:s9] =	ssyncset.done $0x0  }
0x11: {  	[sflag:s9] =	ssyncadd.s32 $0xFFFFE200  }
0x12: {  	[hbm4b:s5+s2] =	stream.linear.scatter [tilespmem:s10], [sflag:$0x1], $0x6400, $0x38;
	[tilespmem:$0xE600] =	vst v63  }
0x13: {  	_ = 	snop  }
0x14: {  	[hbm4b:s6+s2] =	stream.linear.scatter [tilespmem:s11], [sflag:$0x2], $0x6400, $0x38;
	[tilespmem:$0xE600] =	vst v63  }
0x15: {  	_ =	swait.ge [sflag:s12], $0x6400  }
0x16: {  	[sflag:s12] =	ssyncset.done $0x0  }
0x17: {  	s15 =	sadd.s32 $0x0, s8;
	[sflag:s12] =	ssyncadd.s32 $0xFFFF9C00  }
0x18: {  	[hbm4b:s15+s2] =	stream.linear.scatter [tilespmem:s10], [sflag:$0x1], $0x6400, $0x38;
	[tilespmem:$0xE600] =	vst v63  }
0x19: {  	_ =	swait.ge [sflag:s13], $0x6400  }
0x1a: {  	[sflag:s13] =	ssyncset.done $0x0  }
0x1b: {  	s16 =	sadd.s32 $0x0, s7;
	s15 =	simm.s32 $0x1900;
	[sflag:s13] =	ssyncadd.s32 $0xFFFF9C00  }
.LBB2_2:
0x1c: {  	[hbm4b:s16+s2] =	stream.linear.scatter [tilespmem:s11], [sflag:$0x2], $0x6400, $0x38;
	[tilespmem:$0xE600] =	vst v63  }
0x1d: {  	s16 =	smov.u32 s15  }
0x1e: {  	p0 =	sne.s32 s15, $0x23F00;
	s15 =	sadd.s32 $0x1900, s15;
	_ =	swait.ge [sflag:s12], $0x6400  }
0x1f: {  	[sflag:s12] =	ssyncset.done $0x0  }
.Ltmp0:
0x20: {  	s17 =	sadd.s32 s16, s8;
	[sflag:s12] =	ssyncadd.s32 $0xFFFF9C00;
	(pc) =	sbr.rel @p0 .LBB2_2-.Ltmp0, $4  }
0x21: {  	[hbm4b:s17+s2] =	stream.linear.scatter [tilespmem:s10], [sflag:$0x1], $0x6400, $0x38;
	[tilespmem:$0xE600] =	vst v63  }
0x22: {  	_ =	swait.ge [sflag:s13], $0x6400  }
0x23: {  	[sflag:s13] =	ssyncset.done $0x0  }
0x24: {  	s16 =	sadd.s32 s16, s7;
	[sflag:s13] =	ssyncadd.s32 $0xFFFF9C00  }
0x25: {  	[hbm4b:s16+s2] =	stream.linear.scatter [tilespmem:s11], [sflag:$0x2], $0x6400, $0x38;
	[tilespmem:$0xE600] =	vst v63  }
0x26: {  	s14 =	sadd.s32 $0x1, s14  }
0x27: {  	_ =	swait.ge [sflag:s12], $0x6400;
	p0 =	sne.s32 s14, s4  }
.Ltmp1:
0x28: {  	[sflag:s12] =	ssyncset.done $0x0;
	(pc) =	sbr.rel @p0 .LBB2_1-.Ltmp1, $4  }
0x29: {  	[sflag:s12] =	ssyncadd.s32 $0xFFFF9C00  }
0x2a: {  	_ =	swait.ge [sflag:s13], $0x6400  }
0x2b: {  	[sflag:s13] =	ssyncset.done $0x0  }
0x2c: {  	[sflag:s13] =	ssyncadd.s32 $0xFFFF9C00  }
0x2d: {  	_ =	sfence.sel $0x180000  }
0x2e: {  	[bflag:$0x0] =	sbarrier.arrive $0xFFFF  }
0x2f: {  	p0 =	sne.s32 s0, $0x0;
	_ =	strace $0x90000047  }
0x30: {  	s0 =	sadd.s32 @!p0 $0x100000, s1;
	[bflag:$0x2] =	sbarrier.arrive $0xFFFF  }
0x31: {  	[sflag:s0] =	ssyncadd.tile.s32 @!p0 $0x1;
	_ =	shalt  }
.Lfunc_end2:
_tile_overlayer_lowered:
.L_overlay_start_2:
0x32: {  	(tag) =	ssettag $0x2  }
0x33: {  	s0 =	rddreg [dreg:$0x0];
	s2 =	stileid.u32  }
0x34: {  	s1 =	rddreg [dreg:$0x1];
	p0 =	sne.s32 s2, $0x0  }
0x35: {  	s3 =	rddreg [dreg:$0x2];
	[bflag:$0x3] =	sbarrier.arrive $0xFFFF;
	s2 =	simm.s32 @!p0 $0x1C03  }
0x36: {  	[timem:s3], [sflag:s2] =	dma.local @!p0 [hbm:s0], s1  }
0x37: {  	s0 =	simm.s32 @!p0 $0x3  }
0x38: {  	_ =	swait.ge @!p0 [sflag:s0], s1  }
0x39: {  	s1 =	ssub.s32 @!p0 $0x0, s1;
	[sflag:s0] =	ssyncset.done @!p0 $0x0  }
0x3a: {  	[sflag:s0] =	ssyncadd.s32 @!p0 s1  }
0x3b: {  	[bflag:$0x3] =	sbarrier.arrive $0xFFFF  }
0x3c: {  	_ =	shalt  }

</sc_bundles>
